<compile_context>
chip_gen: v7x
topology: tpu7x:2x2x1
jax: 0.10.2.dev20260603
libtpu: 0.0.44.dev20260713+nightly
codegen_flags: <defaults>
</compile_context>

<pallas_src>
import functools
import math

import jax
import jax.numpy as jnp
import numpy as np
from jax import lax
from jax.experimental import pallas as pl
from jax.experimental.pallas import tpu as pltpu
from jax.experimental.pallas import tpu_sc as plsc

_VOCAB = 8192
_D = 32
_TOK = 2048
_TBLK = 512
_NT = _TOK // _TBLK
_LOGK = math.log(float(_VOCAB))
_KLW = 0.001
_INV_TOK = 1.0 / _TOK

_IOTA_ROW = np.arange(_VOCAB, dtype=np.float32).reshape(1, 1, _VOCAB)


def _vq_body(x2x_ref, cb_ref, x2_ref, c2_ref, io_ref, idx_ref, loss_ref):
    q = pl.program_id(0)
    t = pl.program_id(1)
    x2x = x2x_ref[0]
    cb = cb_ref[0]
    x2 = x2_ref[0]
    c2 = c2_ref[0]
    s2 = lax.dot_general(x2x, cb, (((1,), (1,)), ((), ())),
                         preferred_element_type=jnp.float32)
    d2 = (x2 - s2) + c2
    u = x2 - d2
    e = jnp.exp(u)
    s0 = jnp.sum(e, axis=1, keepdims=True)
    s1 = jnp.sum(e * u, axis=1, keepdims=True)
    wbar = s1 / s0
    ed2 = x2 - wbar
    kl = wbar - jnp.log(s0) + _LOGK
    token_loss = 0.5 * ed2 + _KLW * kl
    mn = jnp.min(d2, axis=1, keepdims=True)
    cand = jnp.where(d2 == mn, io_ref[0], float(_VOCAB))
    idxf = jnp.min(cand, axis=1)
    idx_ref[...] = idxf.astype(jnp.int32) + q * _VOCAB

    @pl.when((q == 0) & (t == 0))
    def _init():
        loss_ref[...] = jnp.zeros((1, 1), jnp.float32)

    loss_ref[...] += jnp.reshape(jnp.sum(token_loss) * _INV_TOK, (1, 1))


def _tc_stats(xs2, cbs, x2, c2r):
    return pl.pallas_call(
        _vq_body,
        grid=(2, _NT),
        in_specs=[
            pl.BlockSpec((1, _TBLK, _D), lambda q, t: (q, t, 0)),
            pl.BlockSpec((1, _VOCAB, _D), lambda q, t: (q, 0, 0)),
            pl.BlockSpec((1, _TBLK, 1), lambda q, t: (q, t, 0)),
            pl.BlockSpec((1, 1, _VOCAB), lambda q, t: (q, 0, 0)),
            pl.BlockSpec((1, 1, _VOCAB), lambda q, t: (0, 0, 0)),
        ],
        out_specs=[
            pl.BlockSpec((_TBLK,), lambda q, t: (q * _NT + t,)),
            pl.BlockSpec((1, 1), lambda q, t: (0, 0)),
        ],
        out_shape=[
            jax.ShapeDtypeStruct((2 * _TOK,), jnp.int32),
            jax.ShapeDtypeStruct((1, 1), jnp.float32),
        ],
    )(xs2, cbs, x2, c2r, jnp.asarray(_IOTA_ROW))


def _sc_gather(table, idxq):
    info = plsc.get_sparse_core_info()
    nc = info.num_cores
    nw = nc * info.num_subcores
    b = idxq.shape[0]
    bpw = b // nw
    mesh = plsc.VectorSubcoreMesh(core_axis_name="c", subcore_axis_name="s")

    @functools.partial(
        pl.kernel,
        mesh=mesh,
        out_type=jax.ShapeDtypeStruct((b, 4 * _D), jnp.float32),
        scratch_types=[
            pltpu.VMEM((bpw,), jnp.int32),
            pltpu.VMEM((bpw,), jnp.int32),
            pltpu.VMEM((bpw, 4 * _D), jnp.float32),
            pltpu.SemaphoreType.DMA,
        ],
    )
    def k(table_hbm, idx_hbm, out_hbm, idx_v, row_v, rows_v, sem):
        wid = lax.axis_index("s") * nc + lax.axis_index("c")
        base = wid * bpw
        pltpu.sync_copy(idx_hbm.at[pl.ds(base, bpw)], idx_v)
        for c in range(bpw // 16):
            sl = pl.ds(c * 16, 16)
            row_v[sl] = lax.shift_right_logical(idx_v[sl], 2)
        pltpu.async_copy(table_hbm.at[row_v], rows_v, sem).wait()
        pltpu.sync_copy(rows_v, out_hbm.at[pl.ds(base, bpw)])

    return k(table, idxq)


def kernel(top_latent, bottom_latent, codebook_top, codebook_bottom):
    xs2 = jnp.stack([(top_latent + top_latent).reshape(_TOK, _D),
                     (bottom_latent + bottom_latent).reshape(_TOK, _D)])
    cbs = jnp.stack([codebook_top, codebook_bottom])
    x2 = jnp.sum(xs2 ** 2, axis=-1, keepdims=True) * 0.25
    c2 = jnp.sum(cbs ** 2, axis=-1)
    idx, loss_acc = _tc_stats(xs2, cbs, x2, c2.reshape(2, 1, _VOCAB))
    rows = _sc_gather(cbs.reshape(2 * _VOCAB // 4, 4 * _D), idx)
    r4 = rows.reshape(2 * _TOK, 4, _D)
    off = (idx & 3)[:, None]
    sel = jnp.where(off == 0, r4[:, 0],
                    jnp.where(off == 1, r4[:, 1],
                              jnp.where(off == 2, r4[:, 2], r4[:, 3])))
    z_q = jnp.concatenate([sel[:_TOK].reshape(2, 1024, _D),
                          sel[_TOK:].reshape(2, 1024, _D)], axis=-1)
    return (loss_acc[0, 0], z_q)

# --- scband reference (transcript-rebuilt; emitter-appended) ---
"""Pipeline reference for scband-hq-vae-14388140442091 (READ-ONLY COPY).

The authoritative reference and input builder live on the scoring server;
editing this copy changes nothing except your own understanding.
"""

import jax, jax.numpy as jnp
import numpy as np

VOCAB = 8192
D_TOP = 32
D_BOT = 32
TEMPERATURE = 1.0
KL_WEIGHT = 0.001


def setup_inputs(seed: int = 0) -> dict:
    key = jax.random.key(seed)
    k1, k2, k3, k4 = jax.random.split(key, 4)
    top_latent = jax.random.normal(k1, (2, 1024, D_TOP), dtype=jnp.float32)
    bottom_latent = jax.random.normal(k2, (2, 1024, D_BOT), dtype=jnp.float32)
    codebook_top = jax.random.normal(k3, (VOCAB, D_TOP), dtype=jnp.float32) * 0.02
    codebook_bottom = jax.random.normal(k4, (VOCAB, D_BOT), dtype=jnp.float32) * 0.02
    return {
        "top_latent": top_latent,
        "bottom_latent": bottom_latent,
        "codebook_top": codebook_top,
        "codebook_bottom": codebook_bottom,
    }


def _sq_vae(latent, codebook, temperature, kl_weight):
    # latent: [B, N, D]; codebook: [K, D]
    # squared L2 distances to every code: [B, N, K]
    d2 = (
        jnp.sum(latent ** 2, axis=-1, keepdims=True)
        - 2.0 * jnp.einsum("bnd,kd->bnk", latent, codebook)
        + jnp.sum(codebook ** 2, axis=-1)[None, None, :]
    )
    logits = -d2 / temperature
    log_probs = jax.nn.log_softmax(logits, axis=-1)
    probs = jnp.exp(log_probs)
    # hard assignment + straight-through estimator (deterministic SQ-VAE eval path)
    idx = jnp.argmax(logits, axis=-1)
    z_hard = jnp.take(codebook, idx, axis=0)
    z_q = latent + jax.lax.stop_gradient(z_hard - latent)
    # SQ-VAE style objective: expected quantization error + KL(q || uniform)
    recon_term = jnp.mean(jnp.sum(probs * d2, axis=-1)) / (2.0 * temperature)
    K = codebook.shape[0]
    kl_term = jnp.mean(jnp.sum(probs * log_probs, axis=-1) + jnp.log(K))
    loss = recon_term + kl_weight * kl_term
    return loss, z_q


def reference(top_latent, bottom_latent, codebook_top, codebook_bottom):
    top_loss, top_q = _sq_vae(top_latent, codebook_top, TEMPERATURE, KL_WEIGHT)
    bot_loss, bot_q = _sq_vae(bottom_latent, codebook_bottom, TEMPERATURE, KL_WEIGHT)
    return (top_loss + bot_loss, jnp.concatenate([top_q, bot_q], axis=-1))

if __name__ == "__main__":
    import jax
    _d = setup_inputs()
    print(jax.jit(kernel)(*tuple(_d.values())))

</pallas_src>

<mosaic_0001>
#map = affine_map<(d0, d1) -> (0, 0)>
#map1 = affine_map<(d0, d1) -> (0)>
module attributes {stable_mosaic.version = 14 : i64} {
  func.func @k(%arg0: i32, %arg1: i32, %arg2: memref<4096x128xf32, #tpu.memory_space<hbm>>, %arg3: memref<4096xi32, #tpu.memory_space<hbm>>, %arg4: memref<4096x128xf32, #tpu.memory_space<hbm>>, %arg5: memref<128xi32, #tpu.memory_space<vmem>>, %arg6: memref<128xi32, #tpu.memory_space<vmem>>, %arg7: memref<128x128xf32, #tpu.memory_space<vmem>>, %arg8: memref<!tpu.dma_semaphore, #tpu.memory_space<semaphore_mem>>) attributes {dimension_semantics = [#tpu.dimension_semantics<core_parallel>, #tpu.dimension_semantics<subcore_parallel>], iteration_bounds = array<i64: 2, 16>, scalar_prefetch = 0 : i64, scratch_operands = 4 : i64, tpu.core_type = #tpu.core_type<sc_vector_subcore>, window_params = [{transform_indices = #map}, {transform_indices = #map1}, {transform_indices = #map}]} {
    %mul3A = arith.constant 2 : i32
    %mul3A_0 = arith.muli %arg1, %mul3A : i32
    %add3A = arith.addi %mul3A_0, %arg0 : i32
    %mul3A_1 = arith.constant 128 : i32
    %mul3A_2 = arith.muli %add3A, %mul3A_1 : i32
    "tpu.region"() ({
      %run_scoped3A = tpu.sem_alloc : memref<!tpu.dma_semaphore, #tpu.memory_space<semaphore_mem>>
      %dma_start3A_84 = tpu.memref_slice %arg3[%mul3A_2] : memref<4096xi32, #tpu.memory_space<hbm>> -> memref<128xi32, #tpu.memory_space<hbm>>
      %dma_start3A_85 = tpu.memref_slice %arg3[%mul3A_2] : memref<4096xi32, #tpu.memory_space<hbm>> -> memref<128xi32, #tpu.memory_space<hbm>>
      tpu.enqueue_dma source(%dma_start3A_85 : memref<128xi32, #tpu.memory_space<hbm>>) target(%arg5 : memref<128xi32, #tpu.memory_space<vmem>>) target_semaphore(%run_scoped3A : memref<!tpu.dma_semaphore, #tpu.memory_space<semaphore_mem>>)
      %dma_wait3A_86 = tpu.memref_slice %arg3[%mul3A_2] : memref<4096xi32, #tpu.memory_space<hbm>> -> memref<128xi32, #tpu.memory_space<hbm>>
      %dma_wait3A_87 = tpu.memref_slice %arg3[%mul3A_2] : memref<4096xi32, #tpu.memory_space<hbm>> -> memref<128xi32, #tpu.memory_space<hbm>>
      tpu.wait_dma2 semaphore(%run_scoped3A : memref<!tpu.dma_semaphore, #tpu.memory_space<semaphore_mem>>) src(%dma_wait3A_87 : memref<128xi32, #tpu.memory_space<hbm>>) dst(%arg5 : memref<128xi32, #tpu.memory_space<vmem>>)
      tpu.yield
    }) : () -> ()
    %get3A = arith.constant 0 : index
    %get3A_3 = tpu.vector_load %arg5[%get3A] {strides = array<i32>} : memref<128xi32, #tpu.memory_space<vmem>>, vector<16xi32>,
    %get3A_4 = vector.shape_cast %get3A_3 : vector<16xi32> to vector<16xi32>
    %shift_right_logical3A = arith.constant 2 : i32
    %shift_right_logical3A_5 = vector.broadcast %shift_right_logical3A : i32 to vector<16xi32>
    %shift_right_logical3A_6 = arith.shrui %get3A_4, %shift_right_logical3A_5 : vector<16xi32>
    %swap3A = arith.constant 0 : index
    %swap3A_7 = tpu.vector_load %arg6[%swap3A] {strides = array<i32>} : memref<128xi32, #tpu.memory_space<vmem>>, vector<16xi32>,
    %swap3A_8 = vector.shape_cast %swap3A_7 : vector<16xi32> to vector<16xi32>
    %swap3A_9 = vector.shape_cast %shift_right_logical3A_6 : vector<16xi32> to vector<16xi32>
    tpu.vector_store %arg6[%swap3A], %swap3A_9 {strides = array<i32>} : memref<128xi32, #tpu.memory_space<vmem>>, vector<16xi32>,
    %get3A_10 = arith.constant 16 : index
    %get3A_11 = tpu.vector_load %arg5[%get3A_10] {strides = array<i32>} : memref<128xi32, #tpu.memory_space<vmem>>, vector<16xi32>,
    %get3A_12 = vector.shape_cast %get3A_11 : vector<16xi32> to vector<16xi32>
    %shift_right_logical3A_13 = arith.constant 2 : i32
    %shift_right_logical3A_14 = vector.broadcast %shift_right_logical3A_13 : i32 to vector<16xi32>
    %shift_right_logical3A_15 = arith.shrui %get3A_12, %shift_right_logical3A_14 : vector<16xi32>
    %swap3A_16 = arith.constant 16 : index
    %swap3A_17 = tpu.vector_load %arg6[%swap3A_16] {strides = array<i32>} : memref<128xi32, #tpu.memory_space<vmem>>, vector<16xi32>,
    %swap3A_18 = vector.shape_cast %swap3A_17 : vector<16xi32> to vector<16xi32>
    %swap3A_19 = vector.shape_cast %shift_right_logical3A_15 : vector<16xi32> to vector<16xi32>
    tpu.vector_store %arg6[%swap3A_16], %swap3A_19 {strides = array<i32>} : memref<128xi32, #tpu.memory_space<vmem>>, vector<16xi32>,
    %get3A_20 = arith.constant 32 : index
    %get3A_21 = tpu.vector_load %arg5[%get3A_20] {strides = array<i32>} : memref<128xi32, #tpu.memory_space<vmem>>, vector<16xi32>,
    %get3A_22 = vector.shape_cast %get3A_21 : vector<16xi32> to vector<16xi32>
    %shift_right_logical3A_23 = arith.constant 2 : i32
    %shift_right_logical3A_24 = vector.broadcast %shift_right_logical3A_23 : i32 to vector<16xi32>
    %shift_right_logical3A_25 = arith.shrui %get3A_22, %shift_right_logical3A_24 : vector<16xi32>
    %swap3A_26 = arith.constant 32 : index
    %swap3A_27 = tpu.vector_load %arg6[%swap3A_26] {strides = array<i32>} : memref<128xi32, #tpu.memory_space<vmem>>, vector<16xi32>,
    %swap3A_28 = vector.shape_cast %swap3A_27 : vector<16xi32> to vector<16xi32>
    %swap3A_29 = vector.shape_cast %shift_right_logical3A_25 : vector<16xi32> to vector<16xi32>
    tpu.vector_store %arg6[%swap3A_26], %swap3A_29 {strides = array<i32>} : memref<128xi32, #tpu.memory_space<vmem>>, vector<16xi32>,
    %get3A_30 = arith.constant 48 : index
    %get3A_31 = tpu.vector_load %arg5[%get3A_30] {strides = array<i32>} : memref<128xi32, #tpu.memory_space<vmem>>, vector<16xi32>,
    %get3A_32 = vector.shape_cast %get3A_31 : vector<16xi32> to vector<16xi32>
    %shift_right_logical3A_33 = arith.constant 2 : i32
    %shift_right_logical3A_34 = vector.broadcast %shift_right_logical3A_33 : i32 to vector<16xi32>
    %shift_right_logical3A_35 = arith.shrui %get3A_32, %shift_right_logical3A_34 : vector<16xi32>
    %swap3A_36 = arith.constant 48 : index
    %swap3A_37 = tpu.vector_load %arg6[%swap3A_36] {strides = array<i32>} : memref<128xi32, #tpu.memory_space<vmem>>, vector<16xi32>,
    %swap3A_38 = vector.shape_cast %swap3A_37 : vector<16xi32> to vector<16xi32>
    %swap3A_39 = vector.shape_cast %shift_right_logical3A_35 : vector<16xi32> to vector<16xi32>
    tpu.vector_store %arg6[%swap3A_36], %swap3A_39 {strides = array<i32>} : memref<128xi32, #tpu.memory_space<vmem>>, vector<16xi32>,
    %get3A_40 = arith.constant 64 : index
    %get3A_41 = tpu.vector_load %arg5[%get3A_40] {strides = array<i32>} : memref<128xi32, #tpu.memory_space<vmem>>, vector<16xi32>,
    %get3A_42 = vector.shape_cast %get3A_41 : vector<16xi32> to vector<16xi32>
    %shift_right_logical3A_43 = arith.constant 2 : i32
    %shift_right_logical3A_44 = vector.broadcast %shift_right_logical3A_43 : i32 to vector<16xi32>
    %shift_right_logical3A_45 = arith.shrui %get3A_42, %shift_right_logical3A_44 : vector<16xi32>
    %swap3A_46 = arith.constant 64 : index
    %swap3A_47 = tpu.vector_load %arg6[%swap3A_46] {strides = array<i32>} : memref<128xi32, #tpu.memory_space<vmem>>, vector<16xi32>,
    %swap3A_48 = vector.shape_cast %swap3A_47 : vector<16xi32> to vector<16xi32>
    %swap3A_49 = vector.shape_cast %shift_right_logical3A_45 : vector<16xi32> to vector<16xi32>
    tpu.vector_store %arg6[%swap3A_46], %swap3A_49 {strides = array<i32>} : memref<128xi32, #tpu.memory_space<vmem>>, vector<16xi32>,
    %get3A_50 = arith.constant 80 : index
    %get3A_51 = tpu.vector_load %arg5[%get3A_50] {strides = array<i32>} : memref<128xi32, #tpu.memory_space<vmem>>, vector<16xi32>,
    %get3A_52 = vector.shape_cast %get3A_51 : vector<16xi32> to vector<16xi32>
    %shift_right_logical3A_53 = arith.constant 2 : i32
    %shift_right_logical3A_54 = vector.broadcast %shift_right_logical3A_53 : i32 to vector<16xi32>
    %shift_right_logical3A_55 = arith.shrui %get3A_52, %shift_right_logical3A_54 : vector<16xi32>
    %swap3A_56 = arith.constant 80 : index
    %swap3A_57 = tpu.vector_load %arg6[%swap3A_56] {strides = array<i32>} : memref<128xi32, #tpu.memory_space<vmem>>, vector<16xi32>,
    %swap3A_58 = vector.shape_cast %swap3A_57 : vector<16xi32> to vector<16xi32>
    %swap3A_59 = vector.shape_cast %shift_right_logical3A_55 : vector<16xi32> to vector<16xi32>
    tpu.vector_store %arg6[%swap3A_56], %swap3A_59 {strides = array<i32>} : memref<128xi32, #tpu.memory_space<vmem>>, vector<16xi32>,
    %get3A_60 = arith.constant 96 : index
    %get3A_61 = tpu.vector_load %arg5[%get3A_60] {strides = array<i32>} : memref<128xi32, #tpu.memory_space<vmem>>, vector<16xi32>,
    %get3A_62 = vector.shape_cast %get3A_61 : vector<16xi32> to vector<16xi32>
    %shift_right_logical3A_63 = arith.constant 2 : i32
    %shift_right_logical3A_64 = vector.broadcast %shift_right_logical3A_63 : i32 to vector<16xi32>
    %shift_right_logical3A_65 = arith.shrui %get3A_62, %shift_right_logical3A_64 : vector<16xi32>
    %swap3A_66 = arith.constant 96 : index
    %swap3A_67 = tpu.vector_load %arg6[%swap3A_66] {strides = array<i32>} : memref<128xi32, #tpu.memory_space<vmem>>, vector<16xi32>,
    %swap3A_68 = vector.shape_cast %swap3A_67 : vector<16xi32> to vector<16xi32>
    %swap3A_69 = vector.shape_cast %shift_right_logical3A_65 : vector<16xi32> to vector<16xi32>
    tpu.vector_store %arg6[%swap3A_66], %swap3A_69 {strides = array<i32>} : memref<128xi32, #tpu.memory_space<vmem>>, vector<16xi32>,
    %get3A_70 = arith.constant 112 : index
    %get3A_71 = tpu.vector_load %arg5[%get3A_70] {strides = array<i32>} : memref<128xi32, #tpu.memory_space<vmem>>, vector<16xi32>,
    %get3A_72 = vector.shape_cast %get3A_71 : vector<16xi32> to vector<16xi32>
    %shift_right_logical3A_73 = arith.constant 2 : i32
    %shift_right_logical3A_74 = vector.broadcast %shift_right_logical3A_73 : i32 to vector<16xi32>
    %shift_right_logical3A_75 = arith.shrui %get3A_72, %shift_right_logical3A_74 : vector<16xi32>
    %swap3A_76 = arith.constant 112 : index
    %swap3A_77 = tpu.vector_load %arg6[%swap3A_76] {strides = array<i32>} : memref<128xi32, #tpu.memory_space<vmem>>, vector<16xi32>,
    %swap3A_78 = vector.shape_cast %swap3A_77 : vector<16xi32> to vector<16xi32>
    %swap3A_79 = vector.shape_cast %shift_right_logical3A_75 : vector<16xi32> to vector<16xi32>
    tpu.vector_store %arg6[%swap3A_76], %swap3A_79 {strides = array<i32>} : memref<128xi32, #tpu.memory_space<vmem>>, vector<16xi32>,
    %dma_start3A = arith.constant 0 : i32
    %dma_start3A_80 = arith.constant 0 : i32
    %dma_start3A_81 = tpu.memref_slice %arg2[%dma_start3A, %dma_start3A_80] : memref<4096x128xf32, #tpu.memory_space<hbm>> -> memref<4096x128xf32, #tpu.memory_space<hbm>>
    tpu.enqueue_indirect_dma source(%dma_start3A_81 : memref<4096x128xf32, #tpu.memory_space<hbm>>) target(%arg7 : memref<128x128xf32, #tpu.memory_space<vmem>>) offsets(%arg6 : memref<128xi32, #tpu.memory_space<vmem>>) semaphore(%arg8 : memref<!tpu.dma_semaphore, #tpu.memory_space<semaphore_mem>>)
    %dma_wait3A = arith.constant 0 : i32
    %dma_wait3A_82 = arith.constant 0 : i32
    %dma_wait3A_83 = tpu.memref_slice %arg2[%dma_wait3A, %dma_wait3A_82] : memref<4096x128xf32, #tpu.memory_space<hbm>> -> memref<4096x128xf32, #tpu.memory_space<hbm>>
    tpu.wait_indirect_dma semaphore(%arg8 : memref<!tpu.dma_semaphore, #tpu.memory_space<semaphore_mem>>) src(%dma_wait3A_83 : memref<4096x128xf32, #tpu.memory_space<hbm>>) dst(%arg7 : memref<128x128xf32, #tpu.memory_space<vmem>>)
    "tpu.region"() ({
      %run_scoped3A = tpu.sem_alloc : memref<!tpu.dma_semaphore, #tpu.memory_space<semaphore_mem>>
      %dma_start3A_84 = arith.constant 0 : i32
      %dma_start3A_85 = tpu.memref_slice %arg4[%mul3A_2, %dma_start3A_84] : memref<4096x128xf32, #tpu.memory_space<hbm>> -> memref<128x128xf32, #tpu.memory_space<hbm>>
      %dma_start3A_86 = arith.constant 0 : i32
      %dma_start3A_87 = tpu.memref_slice %arg4[%mul3A_2, %dma_start3A_86] : memref<4096x128xf32, #tpu.memory_space<hbm>> -> memref<128x128xf32, #tpu.memory_space<hbm>>
      tpu.enqueue_dma source(%arg7 : memref<128x128xf32, #tpu.memory_space<vmem>>) target(%dma_start3A_87 : memref<128x128xf32, #tpu.memory_space<hbm>>) target_semaphore(%run_scoped3A : memref<!tpu.dma_semaphore, #tpu.memory_space<semaphore_mem>>)
      %dma_wait3A_88 = arith.constant 0 : i32
      %dma_wait3A_89 = tpu.memref_slice %arg4[%mul3A_2, %dma_wait3A_88] : memref<4096x128xf32, #tpu.memory_space<hbm>> -> memref<128x128xf32, #tpu.memory_space<hbm>>
      %dma_wait3A_90 = arith.constant 0 : i32
      %dma_wait3A_91 = tpu.memref_slice %arg4[%mul3A_2, %dma_wait3A_90] : memref<4096x128xf32, #tpu.memory_space<hbm>> -> memref<128x128xf32, #tpu.memory_space<hbm>>
      tpu.wait_dma2 semaphore(%run_scoped3A : memref<!tpu.dma_semaphore, #tpu.memory_space<semaphore_mem>>) src(%arg7 : memref<128x128xf32, #tpu.memory_space<vmem>>) dst(%dma_wait3A_91 : memref<128x128xf32, #tpu.memory_space<hbm>>)
      tpu.yield
    }) : () -> ()
    return
  }
}

module attributes {stable_mosaic.version = 14 : i64} {
  func.func @_vq_body(%arg0: i32, %arg1: i32, %arg2: memref<1x512x32xf32, #tpu.memory_space<vmem>>, %arg3: memref<1x8192x32xf32, #tpu.memory_space<vmem>>, %arg4: memref<1x512x1xf32, #tpu.memory_space<vmem>>, %arg5: memref<1x1x8192xf32, #tpu.memory_space<vmem>>, %arg6: memref<1x1x8192xf32, #tpu.memory_space<vmem>>, %arg7: memref<512xi32, #tpu.memory_space<vmem>>, %arg8: memref<1x1xf32, #tpu.memory_space<vmem>>) attributes {dimension_semantics = [#tpu.dimension_semantics<arbitrary>, #tpu.dimension_semantics<arbitrary>], iteration_bounds = array<i64: 2, 4>, scalar_prefetch = 0 : i64, scratch_operands = 0 : i64, tpu.core_type = #tpu.core_type<tc>, window_params = [{transform_indices = @transform_0, window_bounds = array<i64: 1, 512, 32>}, {transform_indices = @transform_1, window_bounds = array<i64: 1, 8192, 32>}, {transform_indices = @transform_2, window_bounds = array<i64: 1, 512, 1>}, {transform_indices = @transform_3, window_bounds = array<i64: 1, 1, 8192>}, {pipeline_mode = #tpu.pipeline_mode<synchronous>, transform_indices = @transform_4, window_bounds = array<i64: 1, 1, 8192>}, {transform_indices = @transform_5, window_bounds = array<i64: 512>}, {pipeline_mode = #tpu.pipeline_mode<synchronous>, transform_indices = @transform_6, window_bounds = array<i64: 1, 1>}]} {
    %get3A = arith.constant 0 : index
    %get3A_0 = arith.constant 0 : index
    %get3A_1 = arith.constant 0 : index
    %get3A_2 = vector.load %arg2[%get3A, %get3A_0, %get3A_1] : memref<1x512x32xf32, #tpu.memory_space<vmem>>, vector<1x512x32xf32>
    %get3A_3 = vector.shape_cast %get3A_2 : vector<1x512x32xf32> to vector<512x32xf32>
    %get3A_4 = arith.constant 0 : index
    %get3A_5 = arith.constant 0 : index
    %get3A_6 = arith.constant 0 : index
    %get3A_7 = vector.load %arg3[%get3A_4, %get3A_5, %get3A_6] : memref<1x8192x32xf32, #tpu.memory_space<vmem>>, vector<1x8192x32xf32>
    %get3A_8 = vector.shape_cast %get3A_7 : vector<1x8192x32xf32> to vector<8192x32xf32>
    %get3A_9 = arith.constant 0 : index
    %get3A_10 = arith.constant 0 : index
    %get3A_11 = arith.constant 0 : index
    %get3A_12 = vector.load %arg4[%get3A_9, %get3A_10, %get3A_11] : memref<1x512x1xf32, #tpu.memory_space<vmem>>, vector<1x512x1xf32>
    %get3A_13 = vector.shape_cast %get3A_12 : vector<1x512x1xf32> to vector<512x1xf32>
    %get3A_14 = arith.constant 0 : index
    %get3A_15 = arith.constant 0 : index
    %get3A_16 = arith.constant 0 : index
    %get3A_17 = vector.load %arg5[%get3A_14, %get3A_15, %get3A_16] : memref<1x1x8192xf32, #tpu.memory_space<vmem>>, vector<1x1x8192xf32>
    %get3A_18 = vector.shape_cast %get3A_17 : vector<1x1x8192xf32> to vector<1x8192xf32>
    %dot_general3A = arith.constant dense<0.000000e+00> : vector<512x8192xf32>
    %dot_general3A_19 = tpu.matmul %get3A_3, %get3A_8, %dot_general3A {dimension_numbers = #tpu.dot_dimension_numbers<[1], [1], [0], [0], [0, 0, 1, 0], [], []>, transpose_lhs_hint = false} : vector<512x32xf32>, vector<8192x32xf32>, vector<512x8192xf32> -> vector<512x8192xf32>
    %sub3A = vector.broadcast %get3A_13 : vector<512x1xf32> to vector<512x8192xf32>
    %sub3A_20 = arith.subf %sub3A, %dot_general3A_19 : vector<512x8192xf32>
    %add3A = vector.broadcast %get3A_18 : vector<1x8192xf32> to vector<512x8192xf32>
    %add3A_21 = arith.addf %sub3A_20, %add3A : vector<512x8192xf32>
    %sub3A_22 = vector.broadcast %get3A_13 : vector<512x1xf32> to vector<512x8192xf32>
    %sub3A_23 = arith.subf %sub3A_22, %add3A_21 : vector<512x8192xf32>
    %exp3A = math.exp %sub3A_23 : vector<512x8192xf32>
    %reduce_sum3A = arith.constant dense<0.000000e+00> : vector<512xf32>
    %reduce_sum3A_24 = vector.multi_reduction <add>, %exp3A, %reduce_sum3A [1] : vector<512x8192xf32> to vector<512xf32>
    %broadcast_in_dim3A = vector.shape_cast %reduce_sum3A_24 : vector<512xf32> to vector<512x1xf32>
    %mul3A = arith.mulf %exp3A, %sub3A_23 : vector<512x8192xf32>
    %reduce_sum3A_25 = arith.constant dense<0.000000e+00> : vector<512xf32>
    %reduce_sum3A_26 = vector.multi_reduction <add>, %mul3A, %reduce_sum3A_25 [1] : vector<512x8192xf32> to vector<512xf32>
    %broadcast_in_dim3A_27 = vector.shape_cast %reduce_sum3A_26 : vector<512xf32> to vector<512x1xf32>
    %div3A = arith.divf %broadcast_in_dim3A_27, %broadcast_in_dim3A : vector<512x1xf32>
    %sub3A_28 = arith.subf %get3A_13, %div3A : vector<512x1xf32>
    %log3A = math.log %broadcast_in_dim3A : vector<512x1xf32>
    %sub3A_29 = arith.subf %div3A, %log3A : vector<512x1xf32>
    %add3A_30 = arith.constant 9.01091289 : f32
    %add3A_31 = vector.broadcast %add3A_30 : f32 to vector<512x1xf32>
    %add3A_32 = arith.addf %sub3A_29, %add3A_31 : vector<512x1xf32>
    %mul3A_33 = arith.constant 5.000000e-01 : f32
    %mul3A_34 = vector.broadcast %mul3A_33 : f32 to vector<512x1xf32>
    %mul3A_35 = arith.mulf %mul3A_34, %sub3A_28 : vector<512x1xf32>
    %mul3A_36 = arith.constant 1.000000e-03 : f32
    %mul3A_37 = vector.broadcast %mul3A_36 : f32 to vector<512x1xf32>
    %mul3A_38 = arith.mulf %mul3A_37, %add3A_32 : vector<512x1xf32>
    %add3A_39 = arith.addf %mul3A_35, %mul3A_38 : vector<512x1xf32>
    %reduce_min3A = arith.constant dense<0x7F800000> : vector<512xf32>
    %reduce_min3A_40 = vector.multi_reduction <minimumf>, %add3A_21, %reduce_min3A [1] : vector<512x8192xf32> to vector<512xf32>
    %broadcast_in_dim3A_41 = vector.shape_cast %reduce_min3A_40 : vector<512xf32> to vector<512x1xf32>
    %eq3A = vector.broadcast %broadcast_in_dim3A_41 : vector<512x1xf32> to vector<512x8192xf32>
    %eq3A_42 = arith.cmpf oeq, %add3A_21, %eq3A : vector<512x8192xf32>
    %get3A_43 = arith.constant 0 : index
    %get3A_44 = arith.constant 0 : index
    %get3A_45 = arith.constant 0 : index
    %get3A_46 = vector.load %arg6[%get3A_43, %get3A_44, %get3A_45] : memref<1x1x8192xf32, #tpu.memory_space<vmem>>, vector<1x1x8192xf32>
    %get3A_47 = vector.shape_cast %get3A_46 : vector<1x1x8192xf32> to vector<1x8192xf32>
    %jit3A = arith.constant 8.192000e+03 : f32
    %broadcast_in_dim3A_48 = vector.shape_cast %get3A_47 : vector<1x8192xf32> to vector<1x8192xf32>
    %broadcast_in_dim3A_49 = vector.broadcast %broadcast_in_dim3A_48 : vector<1x8192xf32> to vector<512x8192xf32>
    %broadcast_in_dim3A_50 = vector.broadcast %jit3A : f32 to vector<512x8192xf32>
    %select_n3A = arith.select %eq3A_42, %broadcast_in_dim3A_49, %broadcast_in_dim3A_50 : vector<512x8192xi1>, vector<512x8192xf32>
    %reduce_min3A_51 = arith.constant dense<0x7F800000> : vector<512xf32>
    %reduce_min3A_52 = vector.multi_reduction <minimumf>, %select_n3A, %reduce_min3A_51 [1] : vector<512x8192xf32> to vector<512xf32>
    %convert_element_type3A = arith.fptosi %reduce_min3A_52 : vector<512xf32> to vector<512xi32>
    %mul3A_53 = arith.constant 8192 : i32
    %mul3A_54 = arith.muli %arg0, %mul3A_53 : i32
    %add3A_55 = vector.broadcast %mul3A_54 : i32 to vector<512xi32>
    %add3A_56 = arith.addi %convert_element_type3A, %add3A_55 : vector<512xi32>
    %swap3A = arith.constant 0 : index
    %swap3A_57 = vector.load %arg7[%swap3A] : memref<512xi32, #tpu.memory_space<vmem>>, vector<512xi32>
    tpu.vector_store %arg7[%swap3A], %add3A_56 {strides = array<i32>} : memref<512xi32, #tpu.memory_space<vmem>>, vector<512xi32>,
    %eq3A_58 = arith.constant 0 : i32
    %eq3A_59 = arith.cmpi eq, %arg0, %eq3A_58 : i32
    %eq3A_60 = arith.constant 0 : i32
    %eq3A_61 = arith.cmpi eq, %arg1, %eq3A_60 : i32
    %and3A = arith.andi %eq3A_59, %eq3A_61 : i1
    %convert_element_type3A_62 = arith.extui %and3A : i1 to i32
    %cond3A = arith.constant 0 : i32
    %cond3A_63 = arith.cmpi ne, %convert_element_type3A_62, %cond3A : i32
    scf.if %cond3A_63 {
      %broadcast_in_dim3A_78 = arith.constant 0.000000e+00 : f32
      %broadcast_in_dim3A_79 = vector.broadcast %broadcast_in_dim3A_78 : f32 to vector<1x1xf32>
      %swap3A_80 = arith.constant 0 : index
      %swap3A_81 = arith.constant 0 : index
      %swap3A_82 = vector.load %arg8[%swap3A_80, %swap3A_81] : memref<1x1xf32, #tpu.memory_space<vmem>>, vector<1x1xf32>
      tpu.vector_store %arg8[%swap3A_80, %swap3A_81], %broadcast_in_dim3A_79 {strides = array<i32>} : memref<1x1xf32, #tpu.memory_space<vmem>>, vector<1x1xf32>,
    } else {
    }
    %get3A_64 = arith.constant 0 : index
    %get3A_65 = arith.constant 0 : index
    %get3A_66 = vector.load %arg8[%get3A_64, %get3A_65] : memref<1x1xf32, #tpu.memory_space<vmem>>, vector<1x1xf32>
    %reduce_sum3A_67 = vector.shape_cast %add3A_39 : vector<512x1xf32> to vector<1x512x1xf32>
    %reduce_sum3A_68 = arith.constant dense<0.000000e+00> : vector<1xf32>
    %reduce_sum3A_69 = vector.multi_reduction <add>, %reduce_sum3A_67, %reduce_sum3A_68 [1, 2] : vector<1x512x1xf32> to vector<1xf32>
    %reduce_sum3A_70 = vector.shape_cast %reduce_sum3A_69 : vector<1xf32> to vector<1x1x1xf32>
    %reduce_sum3A_71 = vector.extract %reduce_sum3A_70[0, 0, 0] : f32 from vector<1x1x1xf32>
    %mul3A_72 = arith.constant 4.8828125E-4 : f32
    %mul3A_73 = arith.mulf %reduce_sum3A_71, %mul3A_72 : f32
    %reshape3A = vector.broadcast %mul3A_73 : f32 to vector<1x1xf32>
    %add3A_74 = arith.addf %get3A_66, %reshape3A : vector<1x1xf32>
    %swap3A_75 = arith.constant 0 : index
    %swap3A_76 = arith.constant 0 : index
    %swap3A_77 = vector.load %arg8[%swap3A_75, %swap3A_76] : memref<1x1xf32, #tpu.memory_space<vmem>>, vector<1x1xf32>
    tpu.vector_store %arg8[%swap3A_75, %swap3A_76], %add3A_74 {strides = array<i32>} : memref<1x1xf32, #tpu.memory_space<vmem>>, vector<1x1xf32>,
    return
  }
  func.func @transform_0(%arg0: i32, %arg1: i32) -> (i32, i32, i32) {
    %c0_i32 = arith.constant 0 : i32
    %c0_i32_0 = arith.constant 0 : i32
    return %arg0, %arg1, %c0_i32 : i32, i32, i32
  }
  func.func @transform_1(%arg0: i32, %arg1: i32) -> (i32, i32, i32) {
    %c0_i32 = arith.constant 0 : i32
    %c0_i32_0 = arith.constant 0 : i32
    %c0_i32_1 = arith.constant 0 : i32
    return %arg0, %c0_i32, %c0_i32_0 : i32, i32, i32
  }
  func.func @transform_2(%arg0: i32, %arg1: i32) -> (i32, i32, i32) {
    %c0_i32 = arith.constant 0 : i32
    %c0_i32_0 = arith.constant 0 : i32
    return %arg0, %arg1, %c0_i32 : i32, i32, i32
  }
  func.func @transform_3(%arg0: i32, %arg1: i32) -> (i32, i32, i32) {
    %c0_i32 = arith.constant 0 : i32
    %c0_i32_0 = arith.constant 0 : i32
    %c0_i32_1 = arith.constant 0 : i32
    return %arg0, %c0_i32, %c0_i32_0 : i32, i32, i32
  }
  func.func @transform_4(%arg0: i32, %arg1: i32) -> (i32, i32, i32) {
    %c0_i32 = arith.constant 0 : i32
    %c0_i32_0 = arith.constant 0 : i32
    %c0_i32_1 = arith.constant 0 : i32
    %c0_i32_2 = arith.constant 0 : i32
    return %c0_i32, %c0_i32_0, %c0_i32_1 : i32, i32, i32
  }
  func.func @transform_5(%arg0: i32, %arg1: i32) -> i32 {
    %mul3A = arith.constant 4 : i32
    %mul3A_0 = arith.muli %arg0, %mul3A : i32
    %add3A = arith.addi %mul3A_0, %arg1 : i32
    %c0_i32 = arith.constant 0 : i32
    return %add3A : i32
  }
  func.func @transform_6(%arg0: i32, %arg1: i32) -> (i32, i32) {
    %c0_i32 = arith.constant 0 : i32
    %c0_i32_0 = arith.constant 0 : i32
    %c0_i32_1 = arith.constant 0 : i32
    return %c0_i32, %c0_i32_0 : i32, i32
  }
}

</mosaic_0001>

<sc_bundles>
// kernel: kernel.4.cloned.1.call-start
scs
__scs_entry_jumppad:
0x0: {  	(pc) =	sbr.rel $0x88, $3  }
0x1: {  	(tag) =	ssettag $0x0;
	lr =	simm.s32 $0x1  }
0x2: {  	[smem:$0x3F9D] =	sst lr;
	_ =	strace $0xD0000000  }
0x3: {  	_ = 	snop  }
0x4: {  	_ = 	snop  }
0x5: {  	_ = 	snop  }
0x6: {  	_ = 	snop  }
0x7: {  	_ = 	snop  }
__scs_overlays_trampoline_lowered:
0x8: {  	[smem:$0x3FAC] =	sst s0  }
0x9: {  	[smem:$0x3FAD] =	sst s1  }
0xa: {  	[smem:$0x3FAE] =	sst s2  }
0xb: {  	[smem:$0x3FAF] =	sst s3  }
0xc: {  	[smem:$0x3FB0] =	sst s4  }
0xd: {  	[smem:$0x3FB1] =	sst s5  }
0xe: {  	[smem:$0x3FB2] =	sst s6  }
0xf: {  	[smem:$0x3FB3] =	sst s7  }
0x10: {  	[smem:$0x3FB4] =	sst s8  }
0x11: {  	[smem:$0x3FB5] =	sst s9;
	s0 =	simm.s32 @!p0 $0x0  }
0x12: {  	s1 =	sld [smem:$0x3F9B];
	s0 =	simm.s32 @p0 $0x1  }
0x13: {  	[smem:$0x3FB6] =	sst s0;
	s0 =	simm.s32 @!p1 $0x0  }
0x14: {  	s2 =	sld [smem:$0x3F9A];
	s0 =	simm.s32 @p1 $0x1  }
0x15: {  	[smem:$0x3FB7] =	sst s0;
	s0 =	simm.s32 @!p2 $0x0  }
0x16: {  	s3 =	sld [smem:$0x3FDB];
	s0 =	simm.s32 @p2 $0x1  }
0x17: {  	s4 =	simm.s32 $0x1BF5;
	[smem:$0x3FB9] =	sst s0  }
0x18: {  	s0 =	sld [smem:$0x3F9C];
	_ =	swait.ge [sflag:s4], $0x0  }
0x19: {  	s7 =	sld [smem:$0x3F9D]  }
0x1a: {  	s8 =	sadd.s32 $0xFFFFE003, lr  }
0x1b: {  	s9 =	sadd.s32 $0xFFFFFEF7, lr;
	s5 =	simm.s32 $0xFFFFFFFF;
	p2 =	slt.u32 s8, $0xFFFFF086  }
0x1c: {  	p1 =	slt.u32 s9, $0xF7A;
	s5 =	simm.s32 @!p2 $0x0  }
0x1d: {  	s5 =	simm.s32 @p1 $0x1;
	p0 =	seq.s32 s7, s2  }
0x1e: {  	s7 =	smul.u32 @!p0 $0xF7A, s2;
	p2 =	seq.s32 @!p0 s5, $0x0  }
0x1f: {  	s9 =	smul.u32 $0xF7A, s1;
	s8 =	simm.s32 @!p0 $0x1BF5;
	p2 =	por !p2, p0  }
0x20: {  	[sflag:s8] =	ssyncset.s32 @!p0 $0xFFFFF086;
	s6 =	sadd.s32 @!p0 s3, s7;
	s7 =	simm.s32 @!p0 $0x108  }
0x21: {  	s3 =	sadd.s32 s3, s9;
	s6 =	sadd.s32 @!p0 $0x88, s6;
	s7 =	simm.s32 @p2 $0x1082  }
0x22: {  	[simem:s7], [sflag:s8] =	dma.local @!p0 [hbm:s6], $0xF7A  }
0x23: {  	s9 =	sor.u32 $0xD0000000, s2;
	s6 =	simm.s32 $0x108;
	_ =	swait.ge @!p0 [sflag:s8], $0x0  }
0x24: {  	s3 =	sadd.s32 $0x88, s3;
	s6 =	simm.s32 @!p1 $0x1082;
	[sflag:s4] =	ssyncset.s32 $0xFFFFF086  }
0x25: {  	[simem:s6], [sflag:s4] =	dma.local [hbm:s3], $0xF7A  }
0x26: {  	[smem:$0x3F9D] =	sst s1;
	(tag) =	ssettag s2;
	_ =	strace s9  }
0x27: {  	s1 =	sld [smem:$0x3FAD]  }
0x28: {  	s2 =	sld [smem:$0x3FAE]  }
0x29: {  	s4 =	sld [smem:$0x3FB0]  }
0x2a: {  	p0 =	seq.s32 s5, $0x0;
	s5 =	sld [smem:$0x3FB1]  }
0x2b: {  	s6 =	sld [smem:$0x3FB2]  }
0x2c: {  	s7 =	sld [smem:$0x3FB3]  }
0x2d: {  	s3 =	simm.s32 $0x108;
	s8 =	sld [smem:$0x3FB4]  }
0x2e: {  	s3 =	simm.s32 @!p0 $0x1082;
	s9 =	sld [smem:$0x3FB5]  }
0x2f: {  	lr =	sadd.s32 s0, s3;
	s0 =	sld [smem:$0x3FAC]  }
0x30: {  	s3 =	sld [smem:$0x3FAF]  }
0x31: {  	[smem:$0x3FB8] =	sst s10  }
0x32: {  	s10 =	sld [smem:$0x3FB6];
	_ =	sdelay $0x3  }
0x33: {  	p0 =	seq.s32 s10, $0x1;
	s10 =	sld [smem:$0x3FB8];
	_ =	sdelay $0x3  }
0x34: {  	[smem:$0x3FB8] =	sst s10  }
0x35: {  	s10 =	sld [smem:$0x3FB7];
	_ =	sdelay $0x3  }
0x36: {  	p1 =	seq.s32 s10, $0x1;
	s10 =	sld [smem:$0x3FB8];
	_ =	sdelay $0x3  }
0x37: {  	[smem:$0x3FB8] =	sst s10  }
0x38: {  	s10 =	sld [smem:$0x3FB9]  }
0x39: {  	_ = 	snop;
	(pc) =	sbr.ind lr, $3  }
0x3a: {  	_ = 	snop  }
0x3b: {  	_ = 	snop  }
0x3c: {  	p2 =	seq.s32 s10, $0x1;
	s10 =	sld [smem:$0x3FB8]  }
0x3d: {  	_ =	shalt  }
0x3e: {  	_ =	shalt  }
0x3f: {  	_ =	shalt  }
0x40: {  	_ =	shalt  }
0x41: {  	_ =	shalt  }
0x42: {  	_ =	shalt  }
0x43: {  	_ =	shalt  }
0x44: {  	_ =	shalt  }
0x45: {  	_ =	shalt  }
0x46: {  	_ =	shalt  }
0x47: {  	_ =	shalt  }
0x48: {  	_ =	shalt  }
0x49: {  	_ =	shalt  }
0x4a: {  	_ =	shalt  }
0x4b: {  	_ =	shalt  }
0x4c: {  	_ =	shalt  }
0x4d: {  	_ =	shalt  }
0x4e: {  	_ =	shalt  }
0x4f: {  	_ =	shalt  }
0x50: {  	_ =	shalt  }
0x51: {  	_ =	shalt  }
0x52: {  	_ =	shalt  }
0x53: {  	_ =	shalt  }
0x54: {  	_ =	shalt  }
0x55: {  	_ =	shalt  }
0x56: {  	_ =	shalt  }
0x57: {  	_ =	shalt  }
0x58: {  	_ =	shalt  }
0x59: {  	_ =	shalt  }
0x5a: {  	_ =	shalt  }
0x5b: {  	_ =	shalt  }
0x5c: {  	_ =	shalt  }
0x5d: {  	_ =	shalt  }
0x5e: {  	_ =	shalt  }
0x5f: {  	_ =	shalt  }
0x60: {  	_ =	shalt  }
0x61: {  	_ =	shalt  }
0x62: {  	_ =	shalt  }
0x63: {  	_ =	shalt  }
0x64: {  	_ =	shalt  }
0x65: {  	_ =	shalt  }
0x66: {  	_ =	shalt  }
0x67: {  	_ =	shalt  }
0x68: {  	_ =	shalt  }
0x69: {  	_ =	shalt  }
0x6a: {  	_ =	shalt  }
0x6b: {  	_ =	shalt  }
0x6c: {  	_ =	shalt  }
0x6d: {  	_ =	shalt  }
0x6e: {  	_ =	shalt  }
0x6f: {  	_ =	shalt  }
0x70: {  	_ =	shalt  }
0x71: {  	_ =	shalt  }
0x72: {  	_ =	shalt  }
0x73: {  	_ =	shalt  }
0x74: {  	_ =	shalt  }
0x75: {  	_ =	shalt  }
0x76: {  	_ =	shalt  }
0x77: {  	_ =	shalt  }
0x78: {  	_ =	shalt  }
0x79: {  	_ =	shalt  }
0x7a: {  	_ =	shalt  }
0x7b: {  	_ =	shalt  }
0x7c: {  	_ =	shalt  }
0x7d: {  	_ =	shalt  }
0x7e: {  	_ =	shalt  }
0x7f: {  	_ =	shalt  }
0x80: {  	_ =	shalt  }
0x81: {  	_ =	shalt  }
0x82: {  	_ =	shalt  }
0x83: {  	_ =	shalt  }
0x84: {  	_ =	shalt  }
0x85: {  	_ =	shalt  }
0x86: {  	_ =	shalt  }
0x87: {  	_ =	shalt  }
.Lfunc_end0:
.L_simem_size_0:
called_computation_lowered:
.L_overlay_start_0:
0x88: {  	s2 =	sld [smem:$0x3FD9]  }
0x89: {  	s3 =	sld [smem:$0x3FFE];
	_ =	sdelay $0x1  }
0x8a: {  	s1 =	srdreg.scid  }
0x8b: {  	s0 =	sand.u32 $0x1, s1  }
0x8c: {  	s14 =	sshll.u32 s0, $0xA;
	s2 =	sadd.s32 s3, s2  }
0x8d: {  	s2 =	sadd.s32 s2, s14  }
0x8e: {  	[smem:$0x3FC4] =	sst s2  }
0x8f: {  	_ = 	snop  }
0x90: {  	s2 =	sld [smem:$0x3FD0];
	_ =	sdelay $0x2  }
0x91: {  	s15 =	simm.s32 $0xA;
	s4 =	simm.s32 $0x10  }
0x92: {  	[smem:s4], [sflag:s15] =	dma.local [hbm:s2], $0x1  }
0x93: {  	_ =	swait.eq [sflag:s15], $0x1  }
0x94: {  	[sflag:s15] =	ssyncset.done $0x0  }
0x95: {  	[sflag:s15] =	ssyncadd.s32 $0xFFFFFFFF  }
0x96: {  	s16 =	sld [smem:$0x11];
	(tm) =	ssettm $0x1  }
0x97: {  	s17 =	sld [smem:$0x3FFB];
	_ =	sdelay $0x3  }
0x98: {  	_ =	strace s17  }
0x99: {  	s3 =	sld [smem:$0x3FFC];
	_ =	sdelay $0x3  }
0x9a: {  	_ =	strace s3  }
0x9b: {  	s3 =	sld [smem:$0x3FFD];
	_ =	sdelay $0x3  }
0x9c: {  	_ =	strace s3  }
0x9d: {  	_ =	strace $0x8FFFFFFF  }
0x9e: {  	s18 =	sld [smem:$0x3FDB];
	_ =	sdelay $0x1  }
0x9f: {  	s19 =	simm.s32 $_scs_section_size  }
0xa0: {  	s5 =	simm.s32 $_size__tile_overlayer_lowered;
	s6 =	simm.s32 $_tile_overlayer_lowered  }
0xa1: {  	s22 =	simm.s32 $0x1BFF;
	s21 =	sshll.u32 s6, $0x1;
	s3 =	sadd.s32 s19, s18  }
0xa2: {  	s7 =	simm.s32 $0x0;
	s20 =	sshll.u32 s5, $0x1;
	s5 =	sadd.s32 s21, s3  }
0xa3: {  	[timem:s7], [sflag:s22] =	dma.local [hbm:s5], s20  }
0xa4: {  	_ =	swait.ge [sflag:s22], s20  }
0xa5: {  	s4 =	ssub.s32 $0x0, s20;
	[sflag:s22] =	ssyncset.done $0x0  }
0xa6: {  	[sflag:s22] =	ssyncadd.s32 s4;
	_ =	sdelay $0x1  }
0xa7: {  	s23 =	simm.s32 $0x1B8B  }
0xa8: {  	_ =	swait.ge [sflag:s23], $0x1  }
0xa9: {  	[sflag:s23] =	ssyncset.done $0x0  }
0xaa: {  	s25 =	simm.s32 $0x1B8E;
	s24 =	sld [smem:$0x3FFE];
	[sflag:s23] =	ssyncadd.s32 $0xFFFFFFFF  }
0xab: {  	s26 =	simm.s32 $execute0_lowered;
	[smem:$0x3FD2] =	sst s25  }
0xac: {  	s5 =	sshll.u32 s26, $0x1;
	_ =	strace $0x80000046;
	[dreg:$0x1] =	wrdreg $0xFFFFFFFF  }
0xad: {  	s28 =	simm.s32 $_size_execute0_lowered;
	s3 =	sadd.s32 s3, s5;
	[dreg:$0x0] =	wrdreg $0x0  }
0xae: {  	s5 =	sshll.u32 s28, $0x1;
	[dreg:$0x2] =	wrdreg s3  }
0xaf: {  	[dreg:$0x3] =	wrdreg s5  }
0xb0: {  	[dreg:$0x4] =	wrdreg $0xC0  }
0xb1: {  	_ =	task [dreg:s7], $0x5FFFF  }
0xb2: {  	[dreg:$0x1] =	wrdreg $0xFFFFFFFF  }
0xb3: {  	[dreg:$0x0] =	wrdreg $0x60  }
0xb4: {  	[dreg:$0x2] =	wrdreg s24  }
0xb5: {  	[dreg:$0x3] =	wrdreg s16  }
0xb6: {  	[dreg:$0x4] =	wrdreg $0x9  }
0xb7: {  	_ =	task.clear_ibuf [dreg:s7], $0x5FFFF;
	_ =	strace $0x90000046  }
0xb8: {  	s29 =	simm.s32 $0x9;
	_ =	strace $0x80000048  }
0xb9: {  	_ =	swait.ge [sflag:s29], $0x1  }
0xba: {  	[sflag:s29] =	ssyncadd.s32 $0xFFFFFFFF  }
0xbb: {  	_ =	strace $0x90000048  }
0xbc: {  	_ =	sfence  }
0xbd: {  	s30 =	sld [smem:$0x0];
	_ =	sdelay $0x2  }
0xbe: {  	s31 =	sshll.u32 s1, $0xD;
	s1 =	sshrl.u32 s1, $0x2  }
0xbf: {  	s3 =	sand.u32 $0x4000, s31;
	s1 =	sadd.s32 s1, s30  }
0xc0: {  	s0 =	sor.u32 s3, s0;
	s1 =	sshll.u32 s1, $0x11  }
0xc1: {  	s0 =	sor.u32 s1, s0  }
0xc2: {  	s0 =	sadd.s32 $0x8F2B, s0  }
0xc3: {  	[sflag:s0] =	ssyncadd.remote.s32 $0x1  }
0xc4: {  	_ =	sfence.sel $0xFFFF  }
0xc5: {  	[dreg:$0x0] =	wrdreg $0xFFFFFFFF;
	(pc) =	sbr.abs _section_cstart, $3  }
0xc6: {  	[dreg:$0x1] =	wrdreg $0xFFFFFFFF  }
0xc7: {  	_ =	task.clear_ibuf [dreg:s7], $0x2FFFF;
	_ =	strace $0x9FFFFFFF  }
0xc8: {  	(tm) =	ssettm $0x7FFFFFFF  }
0xc9: {  	_ =	shalt  }
tec
execute0_lowered:
.L_overlay_start_1:
0x0: {  	(tag) =	ssettag $0x1  }
0x1: {  	s1 =	srdreg.scid  }
0x2: {  	s6 =	rddreg [dreg:$0x0];
	s0 =	stileid.u32;
	s5 =	sand.u32 $0x1, s1  }
0x3: {  	s3 =	rddreg [dreg:$0x1];
	s4 =	sshll.u32 s0, $0x8;
	s7 =	sshll.u32 s5, $0x7  }
0x4: {  	s2 =	simm.s32 $0x0;
	s1 =	rddreg [dreg:$0x2];
	s7 =	sor.u32 s7, s4  }
0x5: {  	[smem:$0x7FF] =	sst s2;
	s4 =	sshrl.u32 s7, $0x3  }
0x6: {  	_ =	strace $0x80000047;
	s4 =	sadd.s32 s3, s4;
	s3 =	simm.s32 $0x2  }
0x7: {  	[tilespmem:s2], [sflag:$0x2] =	stream.linear.gather [hbm4b:s4+s2], $0x80, $0x38;
	[tilespmem:$0x4100] =	vst v63  }
0x8: {  	_ =	swait.ge [sflag:s3], $0x80  }
0x9: {  	[sflag:s3] =	ssyncset.done $0x0  }
0xa: {  	[sflag:s3] =	ssyncadd.s32 $0xFFFFFF80  }
0xb: {  	v0 =	vld [tilespmem:$0x70]  }
0xc: {  	v1 =	vld [tilespmem:$0x30]  }
0xd: {  	v2 =	vld [tilespmem:$0x50]  }
0xe: {  	v3 =	vld [tilespmem:$0x40]  }
0xf: {  	s5 =	ssub.s32 $0x2, s5;
	v4 =	vld [tilespmem:$0x60]  }
0x10: {  	s8 =	sshrl.u32 s5, $0x1;
	v5 =	vld [tilespmem:$0x20];
	v0 =	vshrl.u32 v0, $0x2  }
0x11: {  	s8 =	ssub.s32 s5, s8;
	v6 =	vld [tilespmem:$0x10];
	v1 =	vshrl.u32 v1, $0x2;
	[tilespmem:$0xF0] =	vst v0  }
0x12: {  	s10 =	smax.u32 s8, $0x1;
	v58 =	vld [tilespmem:$0x0];
	v59 =	vshrl.u32 v2, $0x2;
	[tilespmem:$0xB0] =	vst v1  }
0x13: {  	p0 =	sne.s32 s10, $0x1;
	v60 =	vshrl.u32 v3, $0x2;
	[tilespmem:$0xD0] =	vst v59  }
.Ltmp0:
0x14: {  	v61 =	vshrl.u32 v4, $0x2;
	[tilespmem:$0xC0] =	vst v60;
	(pc) =	sbr.rel @!p0 .LBB2_2-.Ltmp0, $4  }
0x15: {  	v62 =	vshrl.u32 v5, $0x2;
	[tilespmem:$0xE0] =	vst v61  }
0x16: {  	s9 =	simm.s32 $0x1;
	s7 =	sshll.u32 s7, $0x4;
	v63 =	vshrl.u32 v6, $0x2;
	[tilespmem:$0xA0] =	vst v62  }
0x17: {  	s5 =	sadd.s32 $0xE00, s6;
	s6 =	sadd.s32 s7, s6;
	s7 =	simm.s32 $0x80;
	v0 =	vshrl.u32 v58, $0x2;
	[tilespmem:$0x90] =	vst v63  }
0x18: {  	s8 =	simm.s32 $0x100;
	s6 =	sadd.s32 $0x10E00, s6;
	s10 =	sadd.s32 $0xFFFFFFFF, s10;
	[tilespmem:$0x80] =	vst v0  }
.LBB2_1:
0x19: {  	[tilespmem:s8], [sflag:$0x1] =	stream.indirect.gather [hbm4b:s5+s7], $0x80, s7, s7, $0xb8;
	[tilespmem:$0x4100] =	vst v63  }
0x1a: {  	p0 =	sne.s32 s10, $0x1;
	s10 =	sadd.s32 $0xFFFFFFFF, s10;
	_ =	swait.ge [sflag:s9], $0x4000  }
0x1b: {  	[sflag:s9] =	ssyncset.done $0x0  }
0x1c: {  	[sflag:s9] =	ssyncadd.s32 $0xFFFFC000  }
0x1d: {  	[hbm4b:s6+s2] =	stream.linear.scatter [tilespmem:s8], [sflag:$0x2], $0x4000, $0x38;
	[tilespmem:$0x4100] =	vst v63  }
0x1e: {  	_ =	swait.ge [sflag:s3], $0x4000  }
0x1f: {  	[sflag:s3] =	ssyncset.done $0x0  }
0x20: {  	[sflag:s3] =	ssyncadd.s32 $0xFFFFC000  }
0x21: {  	[tilespmem:s2], [sflag:$0x2] =	stream.linear.gather [hbm4b:s4+s2], $0x80, $0x38;
	[tilespmem:$0x4100] =	vst v63  }
0x22: {  	_ =	swait.ge [sflag:s3], $0x80  }
0x23: {  	[sflag:s3] =	ssyncset.done $0x0  }
0x24: {  	[sflag:s3] =	ssyncadd.s32 $0xFFFFFF80  }
0x25: {  	v0 =	vld [tilespmem:$0x70]  }
0x26: {  	v1 =	vld [tilespmem:$0x30]  }
0x27: {  	v2 =	vld [tilespmem:$0x50]  }
0x28: {  	v3 =	vld [tilespmem:$0x40]  }
0x29: {  	v4 =	vld [tilespmem:$0x60]  }
0x2a: {  	v5 =	vld [tilespmem:$0x20];
	v0 =	vshrl.u32 v0, $0x2  }
0x2b: {  	v6 =	vld [tilespmem:$0x10];
	v1 =	vshrl.u32 v1, $0x2;
	[tilespmem:$0xF0] =	vst v0  }
0x2c: {  	v0 =	vld [tilespmem:$0x0];
	[tilespmem:$0xB0] =	vst v1;
	v1 =	vshrl.u32 v2, $0x2  }
0x2d: {  	v2 =	vshrl.u32 v3, $0x2;
	[tilespmem:$0xD0] =	vst v1  }
.Ltmp1:
0x2e: {  	[tilespmem:$0xC0] =	vst v2;
	v1 =	vshrl.u32 v4, $0x2;
	(pc) =	sbr.rel @p0 .LBB2_1-.Ltmp1, $4  }
0x2f: {  	v2 =	vshrl.u32 v5, $0x2;
	[tilespmem:$0xE0] =	vst v1  }
0x30: {  	v1 =	vshrl.u32 v6, $0x2;
	[tilespmem:$0xA0] =	vst v2  }
0x31: {  	v0 =	vshrl.u32 v0, $0x2;
	[tilespmem:$0x90] =	vst v1  }
0x32: {  	[tilespmem:$0x80] =	vst v0  }
.LBB2_2:
0x33: {  	[tilespmem:s8], [sflag:$0x1] =	stream.indirect.gather [hbm4b:s5+s7], $0x80, s7, s7, $0xb8;
	[tilespmem:$0x4100] =	vst v63  }
0x34: {  	_ =	swait.ge [sflag:s9], $0x4000  }
0x35: {  	[sflag:s9] =	ssyncset.done $0x0  }
0x36: {  	[sflag:s9] =	ssyncadd.s32 $0xFFFFC000  }
0x37: {  	[hbm4b:s6+s2] =	stream.linear.scatter [tilespmem:s8], [sflag:$0x2], $0x4000, $0x38;
	[tilespmem:$0x4100] =	vst v63  }
0x38: {  	_ =	swait.ge [sflag:s3], $0x4000  }
0x39: {  	[sflag:s3] =	ssyncset.done $0x0  }
0x3a: {  	[sflag:s3] =	ssyncadd.s32 $0xFFFFC000  }
0x3b: {  	_ =	sfence.sel $0x180000  }
0x3c: {  	[bflag:$0x0] =	sbarrier.arrive $0xFFFF  }
0x3d: {  	p0 =	sne.s32 s0, $0x0;
	_ =	strace $0x90000047  }
0x3e: {  	s0 =	sadd.s32 @!p0 $0x100000, s1;
	[bflag:$0x2] =	sbarrier.arrive $0xFFFF  }
0x3f: {  	[sflag:s0] =	ssyncadd.tile.s32 @!p0 $0x1;
	_ =	shalt  }
.Lfunc_end2:
_tile_overlayer_lowered:
.L_overlay_start_2:
0x40: {  	(tag) =	ssettag $0x2  }
0x41: {  	s0 =	rddreg [dreg:$0x0];
	s2 =	stileid.u32  }
0x42: {  	s1 =	rddreg [dreg:$0x1];
	p0 =	sne.s32 s2, $0x0  }
0x43: {  	s3 =	rddreg [dreg:$0x2];
	[bflag:$0x3] =	sbarrier.arrive $0xFFFF;
	s2 =	simm.s32 @!p0 $0x1C02  }
0x44: {  	[timem:s3], [sflag:s2] =	dma.local @!p0 [hbm:s0], s1  }
0x45: {  	s0 =	simm.s32 @!p0 $0x2  }
0x46: {  	_ =	swait.ge @!p0 [sflag:s0], s1  }
0x47: {  	s1 =	ssub.s32 @!p0 $0x0, s1;
	[sflag:s0] =	ssyncset.done @!p0 $0x0  }
0x48: {  	[sflag:s0] =	ssyncadd.s32 @!p0 s1  }
0x49: {  	[bflag:$0x3] =	sbarrier.arrive $0xFFFF  }
0x4a: {  	_ =	shalt  }

</sc_bundles>
